<compile_context>
chip_gen: v7x
topology: tpu7x:2x2x1
jax: 0.10.2.dev20260603
libtpu: 0.0.44.dev20260713+nightly
codegen_flags: <defaults>
</compile_context>

<pallas_src>
import functools

import jax
import jax.numpy as jnp
from jax import lax
from jax.experimental import pallas as pl
from jax.experimental.pallas import tpu as pltpu
from jax.experimental.pallas import tpu_sc as plsc

_B = 8
_SEG = 1024
_S = 32
_L = 16
_NW = 32
_PTS = (_B * _SEG) // _NW
_WPB = _SEG // _PTS


def _sc_matched_targets(instance, seed_ids):
    mesh = plsc.VectorSubcoreMesh(
        core_axis_name="c", subcore_axis_name="s", num_cores=2, num_subcores=16
    )

    @functools.partial(
        pl.kernel,
        out_type=jax.ShapeDtypeStruct((_B, _SEG, _S), jnp.float32),
        mesh=mesh,
        scratch_types=[
            pltpu.VMEM((_SEG,), jnp.int32),
            pltpu.VMEM((_S,), jnp.int32),
            pltpu.VMEM((_PTS, _S), jnp.float32),
        ],
        compiler_params=pltpu.CompilerParams(needs_layout_passes=False),
    )
    def k(inst_hbm, sid_hbm, out_hbm, seg_v, sid_v, out_v):
        wid = lax.axis_index("s") * 2 + lax.axis_index("c")
        b = wid // _WPB
        chunk = wid % _WPB
        base = chunk * _PTS
        pltpu.sync_copy(inst_hbm.at[pl.ds(b * _SEG, _SEG)], seg_v)
        pltpu.sync_copy(sid_hbm.at[b], sid_v)
        scls = []
        for h in range(_S // _L):
            sidx = sid_v[pl.ds(h * _L, _L)]
            scls.append(plsc.load_gather(seg_v, [sidx]))

        ones = jnp.full((_L,), 1.0, jnp.float32)
        zeros = jnp.full((_L,), 0.0, jnp.float32)

        unroll = 4

        def body(j, carry):
            i0 = j * unroll
            for u in range(unroll):
                i = i0 + u
                idxv = jnp.full((_L,), base + i, dtype=jnp.int32)
                pcls = plsc.load_gather(seg_v, [idxv])
                for h in range(_S // _L):
                    eq = pcls == scls[h]
                    out_v[i, pl.ds(h * _L, _L)] = jnp.where(eq, ones, zeros)
            return carry

        lax.fori_loop(0, _PTS // unroll, body, 0)
        pltpu.sync_copy(out_v, out_hbm.at[b, pl.ds(base, _PTS)])

    return k(instance, seed_ids)


def kernel(outputs_masks, instance, seed_ids, offset):
    nb = offset.shape[0]
    seg = outputs_masks.shape[0] // nb
    matched_outputs = outputs_masks.reshape(nb, seg, outputs_masks.shape[1])
    matched_targets = _sc_matched_targets(instance, seed_ids)
    return (matched_outputs, matched_targets)

# --- scband reference (transcript-rebuilt; emitter-appended) ---
"""Pipeline reference for scband-my-matcher-51384988730007 (READ-ONLY COPY).

The authoritative reference and input builder live on the scoring server;
editing this copy changes nothing except your own understanding.
"""

import jax, jax.numpy as jnp
import numpy as np

B = 8
SEG = 1024
TOT = B * SEG
Q = 100
K = 64
S = 32


def setup_inputs(seed: int = 0) -> dict:
    key = jax.random.key(seed)
    k1, k2, k3 = jax.random.split(key, 3)
    outputs_masks = jax.random.normal(k1, (TOT, Q), dtype=jnp.float32)
    instance = jax.random.randint(k2, (TOT,), 0, K, dtype=jnp.int32)
    seed_ids = jax.random.randint(k3, (B, S), 0, SEG, dtype=jnp.int32)
    # offsets are cumulative segment ends: 1024, 2048, ..., 8192
    offset = (jnp.arange(B, dtype=jnp.int32) + 1) * SEG
    return {
        'outputs_masks': outputs_masks,
        'instance': instance,
        'seed_ids': seed_ids,
        'offset': offset,
    }


def reference(outputs_masks, instance, seed_ids, offset):
    # Faithful translation of MyMatcher.my_optimized_forward.
    # outputs['outputs_masks'] is a list of mask tensors; here it is a list of one
    # tensor [total_points, num_queries]. targets['instance'] -> instance,
    # targets['seed_ids'] -> seed_ids (per-batch seed indices into the segment).
    nb = offset.shape[0]
    seg = outputs_masks.shape[0] // nb
    out_mask_b = outputs_masks.reshape(nb, seg, outputs_masks.shape[1])  # [B, seg, Q]
    inst_b = instance.reshape(nb, seg)  # [B, seg]

    def per_batch(out_mask, inst_seg, sids):
        # tgt_mask = F.one_hot(tgt_mask).T -> [num_classes, seg]
        tgt_mask = jax.nn.one_hot(inst_seg, K, dtype=jnp.int32).T
        seed_cls = inst_seg[sids]  # [S]
        # masks_tgt = tgt_mask[seed_cls].float() -> [S, seg]
        masks_tgt = tgt_mask[seed_cls].astype(jnp.float32)
        return out_mask, masks_tgt.T  # [seg, Q], [seg, S]

    matched_outputs, matched_targets = jax.vmap(per_batch)(out_mask_b, inst_b, seed_ids)
    # segments are equal-sized, so stack into dense arrays for a clean return
    return (matched_outputs, matched_targets)

if __name__ == "__main__":
    import jax
    _d = setup_inputs()
    print(jax.jit(kernel)(*tuple(_d.values())))

</pallas_src>

<mosaic_0001>
#map = affine_map<(d0, d1) -> (0)>
#map1 = affine_map<(d0, d1) -> (0, 0)>
#map2 = affine_map<(d0, d1) -> (0, 0, 0)>
module attributes {stable_mosaic.version = 14 : i64} {
  func.func @k(%arg0: i32, %arg1: i32, %arg2: memref<8192xi32, #tpu.memory_space<hbm>>, %arg3: memref<8x32xi32, #tpu.memory_space<hbm>>, %arg4: memref<8x1024x32xf32, #tpu.memory_space<hbm>>, %arg5: memref<1024xi32, #tpu.memory_space<vmem>>, %arg6: memref<32xi32, #tpu.memory_space<vmem>>, %arg7: memref<256x32xf32, #tpu.memory_space<vmem>>) attributes {dimension_semantics = [#tpu.dimension_semantics<core_parallel>, #tpu.dimension_semantics<subcore_parallel>], iteration_bounds = array<i64: 2, 16>, scalar_prefetch = 0 : i64, scratch_operands = 3 : i64, tpu.core_type = #tpu.core_type<sc_vector_subcore>, window_params = [{transform_indices = #map}, {transform_indices = #map1}, {transform_indices = #map2}]} {
    %mul3A = arith.constant 2 : i32
    %mul3A_0 = arith.muli %arg1, %mul3A : i32
    %add3A = arith.addi %mul3A_0, %arg0 : i32
    %jit3A = arith.constant 4 : i32
    %div3A = arith.divsi %add3A, %jit3A : i32
    %sign3A = arith.constant 0 : i32
    %sign3A_1 = arith.cmpi sgt, %add3A, %sign3A : i32
    %sign3A_2 = arith.extui %sign3A_1 : i1 to i32
    %sign3A_3 = arith.constant 0 : i32
    %sign3A_4 = arith.cmpi slt, %add3A, %sign3A_3 : i32
    %sign3A_5 = arith.extui %sign3A_4 : i1 to i32
    %sign3A_6 = arith.subi %sign3A_2, %sign3A_5 : i32
    %sign3A_7 = arith.constant 0 : i32
    %sign3A_8 = arith.cmpi sgt, %jit3A, %sign3A_7 : i32
    %sign3A_9 = arith.extui %sign3A_8 : i1 to i32
    %sign3A_10 = arith.constant 0 : i32
    %sign3A_11 = arith.cmpi slt, %jit3A, %sign3A_10 : i32
    %sign3A_12 = arith.extui %sign3A_11 : i1 to i32
    %sign3A_13 = arith.subi %sign3A_9, %sign3A_12 : i32
    %ne3A = arith.cmpi ne, %sign3A_6, %sign3A_13 : i32
    %rem3A = arith.remsi %add3A, %jit3A : i32
    %ne3A_14 = arith.constant 0 : i32
    %ne3A_15 = arith.cmpi ne, %rem3A, %ne3A_14 : i32
    %and3A = arith.andi %ne3A, %ne3A_15 : i1
    %sub3A = arith.constant 1 : i32
    %sub3A_16 = arith.subi %div3A, %sub3A : i32
    %select_n3A = arith.select %and3A, %sub3A_16, %div3A : i32
    %jit3A_17 = arith.constant 4 : i32
    %eq3A = arith.constant 0 : i32
    %eq3A_18 = arith.cmpi eq, %jit3A_17, %eq3A : i32
    %jit3A_19 = arith.constant 1 : i32
    %select_n3A_20 = arith.select %eq3A_18, %jit3A_19, %jit3A_17 : i32
    %rem3A_21 = arith.remsi %add3A, %select_n3A_20 : i32
    %ne3A_22 = arith.constant 0 : i32
    %ne3A_23 = arith.cmpi ne, %rem3A_21, %ne3A_22 : i32
    %lt3A = arith.constant 0 : i32
    %lt3A_24 = arith.cmpi slt, %rem3A_21, %lt3A : i32
    %lt3A_25 = arith.constant 0 : i32
    %lt3A_26 = arith.cmpi slt, %select_n3A_20, %lt3A_25 : i32
    %ne3A_27 = arith.xori %lt3A_24, %lt3A_26 : i1
    %and3A_28 = arith.andi %ne3A_27, %ne3A_23 : i1
    %add3A_29 = arith.addi %rem3A_21, %select_n3A_20 : i32
    %select_n3A_30 = arith.select %and3A_28, %add3A_29, %rem3A_21 : i32
    %mul3A_31 = arith.constant 256 : i32
    %mul3A_32 = arith.muli %select_n3A_30, %mul3A_31 : i32
    %mul3A_33 = arith.constant 1024 : i32
    %mul3A_34 = arith.muli %select_n3A, %mul3A_33 : i32
    "tpu.region"() ({
      %run_scoped3A = tpu.sem_alloc : memref<!tpu.dma_semaphore, #tpu.memory_space<semaphore_mem>>
      %dma_start3A = tpu.memref_slice %arg2[%mul3A_34] : memref<8192xi32, #tpu.memory_space<hbm>> -> memref<1024xi32, #tpu.memory_space<hbm>>
      %dma_start3A_47 = tpu.memref_slice %arg2[%mul3A_34] : memref<8192xi32, #tpu.memory_space<hbm>> -> memref<1024xi32, #tpu.memory_space<hbm>>
      tpu.enqueue_dma source(%dma_start3A_47 : memref<1024xi32, #tpu.memory_space<hbm>>) target(%arg5 : memref<1024xi32, #tpu.memory_space<vmem>>) target_semaphore(%run_scoped3A : memref<!tpu.dma_semaphore, #tpu.memory_space<semaphore_mem>>)
      %dma_wait3A = tpu.memref_slice %arg2[%mul3A_34] : memref<8192xi32, #tpu.memory_space<hbm>> -> memref<1024xi32, #tpu.memory_space<hbm>>
      %dma_wait3A_48 = tpu.memref_slice %arg2[%mul3A_34] : memref<8192xi32, #tpu.memory_space<hbm>> -> memref<1024xi32, #tpu.memory_space<hbm>>
      tpu.wait_dma2 semaphore(%run_scoped3A : memref<!tpu.dma_semaphore, #tpu.memory_space<semaphore_mem>>) src(%dma_wait3A_48 : memref<1024xi32, #tpu.memory_space<hbm>>) dst(%arg5 : memref<1024xi32, #tpu.memory_space<vmem>>)
      tpu.yield
    }) : () -> ()
    "tpu.region"() ({
      %run_scoped3A = tpu.sem_alloc : memref<!tpu.dma_semaphore, #tpu.memory_space<semaphore_mem>>
      %dma_start3A = arith.constant 0 : i32
      %dma_start3A_47 = tpu.memref_slice %arg3[%select_n3A, %dma_start3A] : memref<8x32xi32, #tpu.memory_space<hbm>> -> memref<1x32xi32, #tpu.memory_space<hbm>>
      %dma_start3A_48 = tpu.memref_squeeze %dma_start3A_47 : memref<1x32xi32, #tpu.memory_space<hbm>> -> memref<32xi32, #tpu.memory_space<hbm>>
      %dma_start3A_49 = arith.constant 0 : i32
      %dma_start3A_50 = tpu.memref_slice %arg3[%select_n3A, %dma_start3A_49] : memref<8x32xi32, #tpu.memory_space<hbm>> -> memref<1x32xi32, #tpu.memory_space<hbm>>
      %dma_start3A_51 = tpu.memref_squeeze %dma_start3A_50 : memref<1x32xi32, #tpu.memory_space<hbm>> -> memref<32xi32, #tpu.memory_space<hbm>>
      tpu.enqueue_dma source(%dma_start3A_51 : memref<32xi32, #tpu.memory_space<hbm>>) target(%arg6 : memref<32xi32, #tpu.memory_space<vmem>>) target_semaphore(%run_scoped3A : memref<!tpu.dma_semaphore, #tpu.memory_space<semaphore_mem>>)
      %dma_wait3A = arith.constant 0 : i32
      %dma_wait3A_52 = tpu.memref_slice %arg3[%select_n3A, %dma_wait3A] : memref<8x32xi32, #tpu.memory_space<hbm>> -> memref<1x32xi32, #tpu.memory_space<hbm>>
      %dma_wait3A_53 = tpu.memref_squeeze %dma_wait3A_52 : memref<1x32xi32, #tpu.memory_space<hbm>> -> memref<32xi32, #tpu.memory_space<hbm>>
      %dma_wait3A_54 = arith.constant 0 : i32
      %dma_wait3A_55 = tpu.memref_slice %arg3[%select_n3A, %dma_wait3A_54] : memref<8x32xi32, #tpu.memory_space<hbm>> -> memref<1x32xi32, #tpu.memory_space<hbm>>
      %dma_wait3A_56 = tpu.memref_squeeze %dma_wait3A_55 : memref<1x32xi32, #tpu.memory_space<hbm>> -> memref<32xi32, #tpu.memory_space<hbm>>
      tpu.wait_dma2 semaphore(%run_scoped3A : memref<!tpu.dma_semaphore, #tpu.memory_space<semaphore_mem>>) src(%dma_wait3A_56 : memref<32xi32, #tpu.memory_space<hbm>>) dst(%arg6 : memref<32xi32, #tpu.memory_space<vmem>>)
      tpu.yield
    }) : () -> ()
    %get3A = arith.constant 0 : index
    %get3A_35 = tpu.vector_load %arg6[%get3A] {strides = array<i32>} : memref<32xi32, #tpu.memory_space<vmem>>, vector<16xi32>,
    %gather3A = tpu.vector_load_idx %arg5[%get3A_35] : memref<1024xi32, #tpu.memory_space<vmem>>[vector<16xi32>], vector<16xi32>,
    %get3A_36 = arith.constant 16 : index
    %get3A_37 = tpu.vector_load %arg6[%get3A_36] {strides = array<i32>} : memref<32xi32, #tpu.memory_space<vmem>>, vector<16xi32>,
    %gather3A_38 = tpu.vector_load_idx %arg5[%get3A_37] : memref<1024xi32, #tpu.memory_space<vmem>>[vector<16xi32>], vector<16xi32>,
    %broadcast_in_dim3A = arith.constant 1.000000e+00 : f32
    %broadcast_in_dim3A_39 = vector.broadcast %broadcast_in_dim3A : f32 to vector<16xf32>
    %broadcast_in_dim3A_40 = arith.constant 0.000000e+00 : f32
    %broadcast_in_dim3A_41 = vector.broadcast %broadcast_in_dim3A_40 : f32 to vector<16xf32>
    %scan3A = arith.constant 0 : i32
    %scan3A_42 = arith.constant 0 : i32
    %scan3A_43 = arith.constant 64 : i32
    %scan3A_44 = arith.addi %scan3A_42, %scan3A_43 : i32
    %scan3A_45 = arith.constant 1 : i32
    scf.for %scan3A_47 = %scan3A_42 to %scan3A_44 step %scan3A_45  : i32 {
      %mul3A_48 = arith.constant 4 : i32
      %mul3A_49 = arith.muli %scan3A_47, %mul3A_48 : i32
      %add3A_50 = arith.constant 0 : i32
      %add3A_51 = arith.addi %mul3A_49, %add3A_50 : i32
      %add3A_52 = arith.addi %mul3A_32, %add3A_51 : i32
      %broadcast_in_dim3A_53 = vector.broadcast %add3A_52 : i32 to vector<16xi32>
      %gather3A_54 = tpu.vector_load_idx %arg5[%broadcast_in_dim3A_53] : memref<1024xi32, #tpu.memory_space<vmem>>[vector<16xi32>], vector<16xi32>,
      %eq3A_55 = arith.cmpi eq, %gather3A_54, %gather3A : vector<16xi32>
      %select_n3A_56 = arith.select %eq3A_55, %broadcast_in_dim3A_39, %broadcast_in_dim3A_41 : vector<16xi1>, vector<16xf32>
      %swap3A = arith.index_cast %add3A_51 : i32 to index
      %swap3A_57 = arith.constant 0 : index
      %swap3A_58 = tpu.vector_load %arg7[%swap3A, %swap3A_57] {strides = array<i32>} : memref<256x32xf32, #tpu.memory_space<vmem>>, vector<16xf32>,
      tpu.vector_store %arg7[%swap3A, %swap3A_57], %select_n3A_56 {strides = array<i32>} : memref<256x32xf32, #tpu.memory_space<vmem>>, vector<16xf32>,
      %eq3A_59 = arith.cmpi eq, %gather3A_54, %gather3A_38 : vector<16xi32>
      %select_n3A_60 = arith.select %eq3A_59, %broadcast_in_dim3A_39, %broadcast_in_dim3A_41 : vector<16xi1>, vector<16xf32>
      %swap3A_61 = arith.index_cast %add3A_51 : i32 to index
      %swap3A_62 = arith.constant 16 : index
      %swap3A_63 = tpu.vector_load %arg7[%swap3A_61, %swap3A_62] {strides = array<i32>} : memref<256x32xf32, #tpu.memory_space<vmem>>, vector<16xf32>,
      tpu.vector_store %arg7[%swap3A_61, %swap3A_62], %select_n3A_60 {strides = array<i32>} : memref<256x32xf32, #tpu.memory_space<vmem>>, vector<16xf32>,
      %add3A_64 = arith.constant 1 : i32
      %add3A_65 = arith.addi %mul3A_49, %add3A_64 : i32
      %add3A_66 = arith.addi %mul3A_32, %add3A_65 : i32
      %broadcast_in_dim3A_67 = vector.broadcast %add3A_66 : i32 to vector<16xi32>
      %gather3A_68 = tpu.vector_load_idx %arg5[%broadcast_in_dim3A_67] : memref<1024xi32, #tpu.memory_space<vmem>>[vector<16xi32>], vector<16xi32>,
      %eq3A_69 = arith.cmpi eq, %gather3A_68, %gather3A : vector<16xi32>
      %select_n3A_70 = arith.select %eq3A_69, %broadcast_in_dim3A_39, %broadcast_in_dim3A_41 : vector<16xi1>, vector<16xf32>
      %swap3A_71 = arith.index_cast %add3A_65 : i32 to index
      %swap3A_72 = arith.constant 0 : index
      %swap3A_73 = tpu.vector_load %arg7[%swap3A_71, %swap3A_72] {strides = array<i32>} : memref<256x32xf32, #tpu.memory_space<vmem>>, vector<16xf32>,
      tpu.vector_store %arg7[%swap3A_71, %swap3A_72], %select_n3A_70 {strides = array<i32>} : memref<256x32xf32, #tpu.memory_space<vmem>>, vector<16xf32>,
      %eq3A_74 = arith.cmpi eq, %gather3A_68, %gather3A_38 : vector<16xi32>
      %select_n3A_75 = arith.select %eq3A_74, %broadcast_in_dim3A_39, %broadcast_in_dim3A_41 : vector<16xi1>, vector<16xf32>
      %swap3A_76 = arith.index_cast %add3A_65 : i32 to index
      %swap3A_77 = arith.constant 16 : index
      %swap3A_78 = tpu.vector_load %arg7[%swap3A_76, %swap3A_77] {strides = array<i32>} : memref<256x32xf32, #tpu.memory_space<vmem>>, vector<16xf32>,
      tpu.vector_store %arg7[%swap3A_76, %swap3A_77], %select_n3A_75 {strides = array<i32>} : memref<256x32xf32, #tpu.memory_space<vmem>>, vector<16xf32>,
      %add3A_79 = arith.constant 2 : i32
      %add3A_80 = arith.addi %mul3A_49, %add3A_79 : i32
      %add3A_81 = arith.addi %mul3A_32, %add3A_80 : i32
      %broadcast_in_dim3A_82 = vector.broadcast %add3A_81 : i32 to vector<16xi32>
      %gather3A_83 = tpu.vector_load_idx %arg5[%broadcast_in_dim3A_82] : memref<1024xi32, #tpu.memory_space<vmem>>[vector<16xi32>], vector<16xi32>,
      %eq3A_84 = arith.cmpi eq, %gather3A_83, %gather3A : vector<16xi32>
      %select_n3A_85 = arith.select %eq3A_84, %broadcast_in_dim3A_39, %broadcast_in_dim3A_41 : vector<16xi1>, vector<16xf32>
      %swap3A_86 = arith.index_cast %add3A_80 : i32 to index
      %swap3A_87 = arith.constant 0 : index
      %swap3A_88 = tpu.vector_load %arg7[%swap3A_86, %swap3A_87] {strides = array<i32>} : memref<256x32xf32, #tpu.memory_space<vmem>>, vector<16xf32>,
      tpu.vector_store %arg7[%swap3A_86, %swap3A_87], %select_n3A_85 {strides = array<i32>} : memref<256x32xf32, #tpu.memory_space<vmem>>, vector<16xf32>,
      %eq3A_89 = arith.cmpi eq, %gather3A_83, %gather3A_38 : vector<16xi32>
      %select_n3A_90 = arith.select %eq3A_89, %broadcast_in_dim3A_39, %broadcast_in_dim3A_41 : vector<16xi1>, vector<16xf32>
      %swap3A_91 = arith.index_cast %add3A_80 : i32 to index
      %swap3A_92 = arith.constant 16 : index
      %swap3A_93 = tpu.vector_load %arg7[%swap3A_91, %swap3A_92] {strides = array<i32>} : memref<256x32xf32, #tpu.memory_space<vmem>>, vector<16xf32>,
      tpu.vector_store %arg7[%swap3A_91, %swap3A_92], %select_n3A_90 {strides = array<i32>} : memref<256x32xf32, #tpu.memory_space<vmem>>, vector<16xf32>,
      %add3A_94 = arith.constant 3 : i32
      %add3A_95 = arith.addi %mul3A_49, %add3A_94 : i32
      %add3A_96 = arith.addi %mul3A_32, %add3A_95 : i32
      %broadcast_in_dim3A_97 = vector.broadcast %add3A_96 : i32 to vector<16xi32>
      %gather3A_98 = tpu.vector_load_idx %arg5[%broadcast_in_dim3A_97] : memref<1024xi32, #tpu.memory_space<vmem>>[vector<16xi32>], vector<16xi32>,
      %eq3A_99 = arith.cmpi eq, %gather3A_98, %gather3A : vector<16xi32>
      %select_n3A_100 = arith.select %eq3A_99, %broadcast_in_dim3A_39, %broadcast_in_dim3A_41 : vector<16xi1>, vector<16xf32>
      %swap3A_101 = arith.index_cast %add3A_95 : i32 to index
      %swap3A_102 = arith.constant 0 : index
      %swap3A_103 = tpu.vector_load %arg7[%swap3A_101, %swap3A_102] {strides = array<i32>} : memref<256x32xf32, #tpu.memory_space<vmem>>, vector<16xf32>,
      tpu.vector_store %arg7[%swap3A_101, %swap3A_102], %select_n3A_100 {strides = array<i32>} : memref<256x32xf32, #tpu.memory_space<vmem>>, vector<16xf32>,
      %eq3A_104 = arith.cmpi eq, %gather3A_98, %gather3A_38 : vector<16xi32>
      %select_n3A_105 = arith.select %eq3A_104, %broadcast_in_dim3A_39, %broadcast_in_dim3A_41 : vector<16xi1>, vector<16xf32>
      %swap3A_106 = arith.index_cast %add3A_95 : i32 to index
      %swap3A_107 = arith.constant 16 : index
      %swap3A_108 = tpu.vector_load %arg7[%swap3A_106, %swap3A_107] {strides = array<i32>} : memref<256x32xf32, #tpu.memory_space<vmem>>, vector<16xf32>,
      tpu.vector_store %arg7[%swap3A_106, %swap3A_107], %select_n3A_105 {strides = array<i32>} : memref<256x32xf32, #tpu.memory_space<vmem>>, vector<16xf32>,
    }
    %scan3A_46 = arith.constant 64 : i32
    "tpu.region"() ({
      %run_scoped3A = tpu.sem_alloc : memref<!tpu.dma_semaphore, #tpu.memory_space<semaphore_mem>>
      %dma_start3A = arith.constant 0 : i32
      %dma_start3A_47 = tpu.memref_slice %arg4[%select_n3A, %mul3A_32, %dma_start3A] : memref<8x1024x32xf32, #tpu.memory_space<hbm>> -> memref<1x256x32xf32, #tpu.memory_space<hbm>>
      %dma_start3A_48 = tpu.memref_squeeze %dma_start3A_47 : memref<1x256x32xf32, #tpu.memory_space<hbm>> -> memref<256x32xf32, #tpu.memory_space<hbm>>
      %dma_start3A_49 = arith.constant 0 : i32
      %dma_start3A_50 = tpu.memref_slice %arg4[%select_n3A, %mul3A_32, %dma_start3A_49] : memref<8x1024x32xf32, #tpu.memory_space<hbm>> -> memref<1x256x32xf32, #tpu.memory_space<hbm>>
      %dma_start3A_51 = tpu.memref_squeeze %dma_start3A_50 : memref<1x256x32xf32, #tpu.memory_space<hbm>> -> memref<256x32xf32, #tpu.memory_space<hbm>>
      tpu.enqueue_dma source(%arg7 : memref<256x32xf32, #tpu.memory_space<vmem>>) target(%dma_start3A_51 : memref<256x32xf32, #tpu.memory_space<hbm>>) target_semaphore(%run_scoped3A : memref<!tpu.dma_semaphore, #tpu.memory_space<semaphore_mem>>)
      %dma_wait3A = arith.constant 0 : i32
      %dma_wait3A_52 = tpu.memref_slice %arg4[%select_n3A, %mul3A_32, %dma_wait3A] : memref<8x1024x32xf32, #tpu.memory_space<hbm>> -> memref<1x256x32xf32, #tpu.memory_space<hbm>>
      %dma_wait3A_53 = tpu.memref_squeeze %dma_wait3A_52 : memref<1x256x32xf32, #tpu.memory_space<hbm>> -> memref<256x32xf32, #tpu.memory_space<hbm>>
      %dma_wait3A_54 = arith.constant 0 : i32
      %dma_wait3A_55 = tpu.memref_slice %arg4[%select_n3A, %mul3A_32, %dma_wait3A_54] : memref<8x1024x32xf32, #tpu.memory_space<hbm>> -> memref<1x256x32xf32, #tpu.memory_space<hbm>>
      %dma_wait3A_56 = tpu.memref_squeeze %dma_wait3A_55 : memref<1x256x32xf32, #tpu.memory_space<hbm>> -> memref<256x32xf32, #tpu.memory_space<hbm>>
      tpu.wait_dma2 semaphore(%run_scoped3A : memref<!tpu.dma_semaphore, #tpu.memory_space<semaphore_mem>>) src(%arg7 : memref<256x32xf32, #tpu.memory_space<vmem>>) dst(%dma_wait3A_56 : memref<256x32xf32, #tpu.memory_space<hbm>>)
      tpu.yield
    }) : () -> ()
    return
  }
}

</mosaic_0001>

<sc_bundles>
// kernel: kernel.3.cloned.1.call-start
scs
__scs_entry_jumppad:
0x0: {  	(pc) =	sbr.rel $0x88, $3  }
0x1: {  	(tag) =	ssettag $0x0;
	lr =	simm.s32 $0x1  }
0x2: {  	[smem:$0x3F9E] =	sst lr;
	_ =	strace $0xD0000000  }
0x3: {  	_ = 	snop  }
0x4: {  	_ = 	snop  }
0x5: {  	_ = 	snop  }
0x6: {  	_ = 	snop  }
0x7: {  	_ = 	snop  }
__scs_overlays_trampoline_lowered:
0x8: {  	[smem:$0x3FAD] =	sst s0  }
0x9: {  	[smem:$0x3FAE] =	sst s1  }
0xa: {  	[smem:$0x3FAF] =	sst s2  }
0xb: {  	[smem:$0x3FB0] =	sst s3  }
0xc: {  	[smem:$0x3FB1] =	sst s4  }
0xd: {  	[smem:$0x3FB2] =	sst s5  }
0xe: {  	[smem:$0x3FB3] =	sst s6  }
0xf: {  	[smem:$0x3FB4] =	sst s7  }
0x10: {  	[smem:$0x3FB5] =	sst s8  }
0x11: {  	[smem:$0x3FB6] =	sst s9;
	s0 =	simm.s32 @!p0 $0x0  }
0x12: {  	s1 =	sld [smem:$0x3F9C];
	s0 =	simm.s32 @p0 $0x1  }
0x13: {  	[smem:$0x3FB7] =	sst s0;
	s0 =	simm.s32 @!p1 $0x0  }
0x14: {  	s2 =	sld [smem:$0x3F9B];
	s0 =	simm.s32 @p1 $0x1  }
0x15: {  	[smem:$0x3FB8] =	sst s0;
	s0 =	simm.s32 @!p2 $0x0  }
0x16: {  	s3 =	sld [smem:$0x3FDB];
	s0 =	simm.s32 @p2 $0x1  }
0x17: {  	s4 =	simm.s32 $0x1BF5;
	[smem:$0x3FBA] =	sst s0  }
0x18: {  	s0 =	sld [smem:$0x3F9D];
	_ =	swait.ge [sflag:s4], $0x0  }
0x19: {  	s7 =	sld [smem:$0x3F9E]  }
0x1a: {  	s8 =	sadd.s32 $0xFFFFE003, lr  }
0x1b: {  	s9 =	sadd.s32 $0xFFFFFEF7, lr;
	s5 =	simm.s32 $0xFFFFFFFF;
	p2 =	slt.u32 s8, $0xFFFFF086  }
0x1c: {  	p1 =	slt.u32 s9, $0xF7A;
	s5 =	simm.s32 @!p2 $0x0  }
0x1d: {  	s5 =	simm.s32 @p1 $0x1;
	p0 =	seq.s32 s7, s2  }
0x1e: {  	s7 =	smul.u32 @!p0 $0xF7A, s2;
	p2 =	seq.s32 @!p0 s5, $0x0  }
0x1f: {  	s9 =	smul.u32 $0xF7A, s1;
	s8 =	simm.s32 @!p0 $0x1BF5;
	p2 =	por !p2, p0  }
0x20: {  	[sflag:s8] =	ssyncset.s32 @!p0 $0xFFFFF086;
	s6 =	sadd.s32 @!p0 s3, s7;
	s7 =	simm.s32 @!p0 $0x108  }
0x21: {  	s3 =	sadd.s32 s3, s9;
	s6 =	sadd.s32 @!p0 $0x88, s6;
	s7 =	simm.s32 @p2 $0x1082  }
0x22: {  	[simem:s7], [sflag:s8] =	dma.local @!p0 [hbm:s6], $0xF7A  }
0x23: {  	s9 =	sor.u32 $0xD0000000, s2;
	s6 =	simm.s32 $0x108;
	_ =	swait.ge @!p0 [sflag:s8], $0x0  }
0x24: {  	s3 =	sadd.s32 $0x88, s3;
	s6 =	simm.s32 @!p1 $0x1082;
	[sflag:s4] =	ssyncset.s32 $0xFFFFF086  }
0x25: {  	[simem:s6], [sflag:s4] =	dma.local [hbm:s3], $0xF7A  }
0x26: {  	[smem:$0x3F9E] =	sst s1;
	(tag) =	ssettag s2;
	_ =	strace s9  }
0x27: {  	s1 =	sld [smem:$0x3FAE]  }
0x28: {  	s2 =	sld [smem:$0x3FAF]  }
0x29: {  	s4 =	sld [smem:$0x3FB1]  }
0x2a: {  	p0 =	seq.s32 s5, $0x0;
	s5 =	sld [smem:$0x3FB2]  }
0x2b: {  	s6 =	sld [smem:$0x3FB3]  }
0x2c: {  	s7 =	sld [smem:$0x3FB4]  }
0x2d: {  	s3 =	simm.s32 $0x108;
	s8 =	sld [smem:$0x3FB5]  }
0x2e: {  	s3 =	simm.s32 @!p0 $0x1082;
	s9 =	sld [smem:$0x3FB6]  }
0x2f: {  	lr =	sadd.s32 s0, s3;
	s0 =	sld [smem:$0x3FAD]  }
0x30: {  	s3 =	sld [smem:$0x3FB0]  }
0x31: {  	[smem:$0x3FB9] =	sst s10  }
0x32: {  	s10 =	sld [smem:$0x3FB7];
	_ =	sdelay $0x3  }
0x33: {  	p0 =	seq.s32 s10, $0x1;
	s10 =	sld [smem:$0x3FB9];
	_ =	sdelay $0x3  }
0x34: {  	[smem:$0x3FB9] =	sst s10  }
0x35: {  	s10 =	sld [smem:$0x3FB8];
	_ =	sdelay $0x3  }
0x36: {  	p1 =	seq.s32 s10, $0x1;
	s10 =	sld [smem:$0x3FB9];
	_ =	sdelay $0x3  }
0x37: {  	[smem:$0x3FB9] =	sst s10  }
0x38: {  	s10 =	sld [smem:$0x3FBA]  }
0x39: {  	_ = 	snop;
	(pc) =	sbr.ind lr, $3  }
0x3a: {  	_ = 	snop  }
0x3b: {  	_ = 	snop  }
0x3c: {  	p2 =	seq.s32 s10, $0x1;
	s10 =	sld [smem:$0x3FB9]  }
0x3d: {  	_ =	shalt  }
0x3e: {  	_ =	shalt  }
0x3f: {  	_ =	shalt  }
0x40: {  	_ =	shalt  }
0x41: {  	_ =	shalt  }
0x42: {  	_ =	shalt  }
0x43: {  	_ =	shalt  }
0x44: {  	_ =	shalt  }
0x45: {  	_ =	shalt  }
0x46: {  	_ =	shalt  }
0x47: {  	_ =	shalt  }
0x48: {  	_ =	shalt  }
0x49: {  	_ =	shalt  }
0x4a: {  	_ =	shalt  }
0x4b: {  	_ =	shalt  }
0x4c: {  	_ =	shalt  }
0x4d: {  	_ =	shalt  }
0x4e: {  	_ =	shalt  }
0x4f: {  	_ =	shalt  }
0x50: {  	_ =	shalt  }
0x51: {  	_ =	shalt  }
0x52: {  	_ =	shalt  }
0x53: {  	_ =	shalt  }
0x54: {  	_ =	shalt  }
0x55: {  	_ =	shalt  }
0x56: {  	_ =	shalt  }
0x57: {  	_ =	shalt  }
0x58: {  	_ =	shalt  }
0x59: {  	_ =	shalt  }
0x5a: {  	_ =	shalt  }
0x5b: {  	_ =	shalt  }
0x5c: {  	_ =	shalt  }
0x5d: {  	_ =	shalt  }
0x5e: {  	_ =	shalt  }
0x5f: {  	_ =	shalt  }
0x60: {  	_ =	shalt  }
0x61: {  	_ =	shalt  }
0x62: {  	_ =	shalt  }
0x63: {  	_ =	shalt  }
0x64: {  	_ =	shalt  }
0x65: {  	_ =	shalt  }
0x66: {  	_ =	shalt  }
0x67: {  	_ =	shalt  }
0x68: {  	_ =	shalt  }
0x69: {  	_ =	shalt  }
0x6a: {  	_ =	shalt  }
0x6b: {  	_ =	shalt  }
0x6c: {  	_ =	shalt  }
0x6d: {  	_ =	shalt  }
0x6e: {  	_ =	shalt  }
0x6f: {  	_ =	shalt  }
0x70: {  	_ =	shalt  }
0x71: {  	_ =	shalt  }
0x72: {  	_ =	shalt  }
0x73: {  	_ =	shalt  }
0x74: {  	_ =	shalt  }
0x75: {  	_ =	shalt  }
0x76: {  	_ =	shalt  }
0x77: {  	_ =	shalt  }
0x78: {  	_ =	shalt  }
0x79: {  	_ =	shalt  }
0x7a: {  	_ =	shalt  }
0x7b: {  	_ =	shalt  }
0x7c: {  	_ =	shalt  }
0x7d: {  	_ =	shalt  }
0x7e: {  	_ =	shalt  }
0x7f: {  	_ =	shalt  }
0x80: {  	_ =	shalt  }
0x81: {  	_ =	shalt  }
0x82: {  	_ =	shalt  }
0x83: {  	_ =	shalt  }
0x84: {  	_ =	shalt  }
0x85: {  	_ =	shalt  }
0x86: {  	_ =	shalt  }
0x87: {  	_ =	shalt  }
.Lfunc_end0:
.L_simem_size_0:
called_computation_lowered:
.L_overlay_start_0:
0x88: {  	s2 =	sld [smem:$0x3FD9]  }
0x89: {  	s3 =	sld [smem:$0x3FFE];
	_ =	sdelay $0x1  }
0x8a: {  	s1 =	srdreg.scid  }
0x8b: {  	s0 =	sand.u32 $0x1, s1  }
0x8c: {  	s17 =	sshll.u32 s0, $0xA;
	s2 =	sadd.s32 s3, s2  }
0x8d: {  	s2 =	sadd.s32 s2, s17  }
0x8e: {  	[smem:$0x3FC5] =	sst s2  }
0x8f: {  	_ = 	snop  }
0x90: {  	s2 =	sld [smem:$0x3FC8]  }
0x91: {  	s18 =	sld [smem:$0x3FC7];
	(tm) =	ssettm $0x1  }
0x92: {  	s4 =	sld [smem:$0x3FFB];
	_ =	sdelay $0x3  }
0x93: {  	_ =	strace s4  }
0x94: {  	s4 =	sld [smem:$0x3FFC];
	_ =	sdelay $0x3  }
0x95: {  	_ =	strace s4  }
0x96: {  	s4 =	sld [smem:$0x3FFD];
	_ =	sdelay $0x3  }
0x97: {  	_ =	strace s4  }
0x98: {  	_ =	strace $0x8FFFFFFF  }
0x99: {  	s19 =	sld [smem:$0x3FDB];
	_ =	sdelay $0x1  }
0x9a: {  	s5 =	simm.s32 $_scs_section_size  }
0x9b: {  	s6 =	simm.s32 $_size__tile_overlayer_lowered;
	s7 =	simm.s32 $_tile_overlayer_lowered  }
0x9c: {  	s22 =	simm.s32 $0x1BFF;
	s21 =	sshll.u32 s7, $0x1;
	s4 =	sadd.s32 s5, s19  }
0x9d: {  	s8 =	simm.s32 $0x0;
	s20 =	sshll.u32 s6, $0x1;
	s6 =	sadd.s32 s21, s4  }
0x9e: {  	[timem:s8], [sflag:s22] =	dma.local [hbm:s6], s20  }
0x9f: {  	_ =	swait.ge [sflag:s22], s20  }
0xa0: {  	s5 =	ssub.s32 $0x0, s20;
	[sflag:s22] =	ssyncset.done $0x0  }
0xa1: {  	[sflag:s22] =	ssyncadd.s32 s5;
	_ =	sdelay $0x1  }
0xa2: {  	s23 =	simm.s32 $0x1B8B  }
0xa3: {  	_ =	swait.ge [sflag:s23], $0x1  }
0xa4: {  	[sflag:s23] =	ssyncset.done $0x0  }
0xa5: {  	s25 =	simm.s32 $0x1B8E;
	s24 =	sld [smem:$0x3FFE];
	[sflag:s23] =	ssyncadd.s32 $0xFFFFFFFF  }
0xa6: {  	s26 =	simm.s32 $execute0_lowered;
	[smem:$0x3FD2] =	sst s25  }
0xa7: {  	s6 =	sshll.u32 s26, $0x1;
	_ =	strace $0x80000046;
	[dreg:$0x1] =	wrdreg $0xFFFFFFFF  }
0xa8: {  	s28 =	simm.s32 $_size_execute0_lowered;
	s4 =	sadd.s32 s4, s6;
	[dreg:$0x0] =	wrdreg $0x0  }
0xa9: {  	s6 =	sshll.u32 s28, $0x1;
	[dreg:$0x2] =	wrdreg s4  }
0xaa: {  	[dreg:$0x3] =	wrdreg s6  }
0xab: {  	[dreg:$0x4] =	wrdreg $0xC0  }
0xac: {  	_ =	task [dreg:s8], $0x5FFFF  }
0xad: {  	[dreg:$0x1] =	wrdreg $0xFFFFFFFF  }
0xae: {  	[dreg:$0x0] =	wrdreg $0x60  }
0xaf: {  	[dreg:$0x2] =	wrdreg s2  }
0xb0: {  	[dreg:$0x3] =	wrdreg s18  }
0xb1: {  	[dreg:$0x4] =	wrdreg s24  }
0xb2: {  	[dreg:$0x5] =	wrdreg $0x9  }
0xb3: {  	_ =	task.clear_ibuf [dreg:s8], $0x6FFFF;
	_ =	strace $0x90000046  }
0xb4: {  	s29 =	simm.s32 $0x9;
	_ =	strace $0x80000048  }
0xb5: {  	_ =	swait.ge [sflag:s29], $0x1  }
0xb6: {  	[sflag:s29] =	ssyncadd.s32 $0xFFFFFFFF  }
0xb7: {  	_ =	strace $0x90000048  }
0xb8: {  	_ =	sfence  }
0xb9: {  	s30 =	sld [smem:$0x0];
	_ =	sdelay $0x2  }
0xba: {  	s31 =	sshll.u32 s1, $0xD;
	s1 =	sshrl.u32 s1, $0x2  }
0xbb: {  	s3 =	sand.u32 $0x4000, s31;
	s1 =	sadd.s32 s1, s30  }
0xbc: {  	s0 =	sor.u32 s3, s0;
	s1 =	sshll.u32 s1, $0x11  }
0xbd: {  	s0 =	sor.u32 s1, s0  }
0xbe: {  	s0 =	sadd.s32 $0x8F2B, s0  }
0xbf: {  	[sflag:s0] =	ssyncadd.remote.s32 $0x1  }
0xc0: {  	_ =	sfence.sel $0xFFFF  }
0xc1: {  	[dreg:$0x0] =	wrdreg $0xFFFFFFFF;
	(pc) =	sbr.abs _section_cstart, $3  }
0xc2: {  	[dreg:$0x1] =	wrdreg $0xFFFFFFFF  }
0xc3: {  	_ =	task.clear_ibuf [dreg:s8], $0x2FFFF;
	_ =	strace $0x9FFFFFFF  }
0xc4: {  	(tm) =	ssettm $0x7FFFFFFF  }
0xc5: {  	_ =	shalt  }
tec
execute0_lowered:
.L_overlay_start_1:
0x0: {  	(tag) =	ssettag $0x1  }
0x1: {  	s3 =	rddreg [dreg:$0x0]  }
0x2: {  	s4 =	rddreg [dreg:$0x1]  }
0x3: {  	s5 =	rddreg [dreg:$0x2]  }
0x4: {  	s0 =	rddreg [dreg:$0x3];
	s2 =	simm.s32 $0x0  }
0x5: {  	s1 =	stileid.u32;
	s6 =	srdreg.scid;
	s11 =	simm.s32 $0x0  }
0x6: {  	[smem:$0x7FF] =	sst s2;
	s7 =	sshrl.u32 s1, $0x1;
	s6 =	sand.u32 $0x1, s6  }
0x7: {  	s10 =	sshll.u32 s1, $0x1;
	s30 =	sand.u32 $0x1, s1;
	_ =	strace $0x80000047  }
0x8: {  	s8 =	sshll.u32 s7, $0xE;
	s9 =	ssub.s32 $0x2, s6;
	s10 =	sand.u32 $0x2, s10  }
0x9: {  	s29 =	sshll.u32 s7, $0x7;
	s7 =	sshll.u32 s7, $0x4;
	s31 =	sshll.u32 s6, $0x8  }
0xa: {  	s5 =	sadd.s32 s8, s5;
	s26 =	sshrl.u32 s9, $0x1;
	s28 =	sor.u32 s6, s10  }
0xb: {  	s3 =	sadd.s32 s3, s29;
	s4 =	sadd.s32 s4, s7;
	s7 =	sshll.u32 s30, $0x9  }
0xc: {  	s10 =	simm.s32 $0x480;
	s8 =	ssub.s32 s9, s26;
	s9 =	sshll.u32 s28, $0xC  }
0xd: {  	s7 =	sor.u32 s31, s7;
	s5 =	sadd.s32 s9, s5;
	s6 =	smax.u32 s8, $0x1  }
0xe: {  	v0 =	vimm.f32 $0.0e+00;
	s8 =	simm.s32 $0x1;
	s9 =	simm.s32 $0x400;
	s5 =	sadd.s32 $0x600, s5  }
.LBB2_1:
0xf: {  	[tilespmem:s2], [sflag:$0x1] =	stream.linear.gather [hbm4b:s3+s2], $0x400, $0x38;
	[tilespmem:$0x8480] =	vst v63  }
0x10: {  	_ =	swait.ge [sflag:s8], $0x400  }
0x11: {  	[sflag:s8] =	ssyncset.done $0x0  }
0x12: {  	[sflag:s8] =	ssyncadd.s32 $0xFFFFFC00  }
0x13: {  	[tilespmem:s9], [sflag:$0x1] =	stream.linear.gather [hbm4b:s4+s2], $0x80, $0x38;
	[tilespmem:$0x8480] =	vst v63  }
0x14: {  	_ =	swait.ge [sflag:s8], $0x80  }
0x15: {  	s13 =	sadd.s32 $0x0, s7;
	[sflag:s8] =	ssyncset.done $0x0  }
0x16: {  	v2 =	vmov s13;
	[sflag:s8] =	ssyncadd.s32 $0xFFFFFF80  }
0x17: {  	v2 =	vand.u32 $0xFFFFFFFC, v2;
	v1 =	vld [tilespmem:$0x400]  }
0x18: {  	v2 =	vbroadcast v2, $0x0;
	v3 =	vld [tilespmem:$0x410];
	_ =	sdelay $0x5  }
0x19: {  	v4 =	vld.idx.msk [tilespmem:v2+s2+$0x0], $0xffff  }
0x1a: {  	s12 =	sadd.s32 $0x1, s13;
	v1 =	vld.idx.msk [tilespmem:v1+s2+$0x0], $0xffff  }
0x1b: {  	v2 =	vld.idx.msk [tilespmem:v3+s2+$0x0], $0xffff;
	v3 =	vmov s12  }
0x1c: {  	v3 =	vand.u32 $0xFFFFFFFD, v3  }
0x1d: {  	v3 =	vbroadcast v3, $0x0;
	_ =	sdelay $0x1  }
0x1e: {  	vm0 =	veq.s32 v4, v1  }
0x1f: {  	s12 =	simm.s32 $0x580;
	vm12 =	veq.s32 v4, v2;
	v5 =	vsel vm0, $0x3F800000, v0  }
0x20: {  	v4 =	vsel vm12, $0x3F800000, v0;
	[tilespmem:s12+$0xFFFFFF00] =	vst v5  }
0x21: {  	[tilespmem:s12+$0xFFFFFF10] =	vst v4  }
0x22: {  	s14 =	sadd.s32 $0x2, s13;
	v3 =	vld.idx.msk [tilespmem:v3+s2+$0x0], $0xffff  }
0x23: {  	v4 =	vmov s14  }
0x24: {  	v4 =	vand.u32 $0xFFFFFFFE, v4  }
0x25: {  	v4 =	vbroadcast v4, $0x0;
	_ =	sdelay $0x1  }
0x26: {  	vm13 =	veq.s32 v3, v1  }
0x27: {  	vm14 =	veq.s32 v3, v2;
	v5 =	vsel vm13, $0x3F800000, v0  }
0x28: {  	v3 =	vsel vm14, $0x3F800000, v0;
	[tilespmem:s12+$0xFFFFFF80] =	vst v5  }
0x29: {  	[tilespmem:s12+$0xFFFFFF90] =	vst v3  }
0x2a: {  	v3 =	vld.idx.msk [tilespmem:v4+s2+$0x0], $0xffff;
	_ =	sdelay $0x2  }
0x2b: {  	s13 =	sadd.s32 $0x3, s13  }
0x2c: {  	v4 =	vmov s13  }
0x2d: {  	vm15 =	veq.s32 v3, v2  }
0x2e: {  	vm1 =	veq.s32 v3, v1;
	v3 =	vsel vm15, $0x3F800000, v0  }
0x2f: {  	v5 =	vsel vm1, $0x3F800000, v0;
	[tilespmem:s12+$0x10] =	vst v3  }
0x30: {  	[tilespmem:s12+$0x0] =	vst v5  }
0x31: {  	s13 =	sadd.s32 $0x4, s7;
	v3 =	vld.idx.msk [tilespmem:v4+s2+$0x0], $0xffff  }
0x32: {  	v5 =	vmov s13  }
0x33: {  	s14 =	simm.s32 $0x8;
	v4 =	vand.u32 $0xFFFFFFFC, v5  }
.LBB2_2:
0x34: {  	p0 =	sne.s32 s14, $0xFC;
	v4 =	vbroadcast v4, $0x0;
	_ =	sdelay $0x1  }
0x35: {  	vm0 =	veq.s32 v3, v1;
	vm1 =	veq.s32 v3, v2  }
0x36: {  	v3 =	vsel vm0, $0x3F800000, v0;
	v5 =	vsel vm1, $0x3F800000, v0  }
0x37: {  	[tilespmem:s12+$0x80] =	vst v3  }
0x38: {  	[tilespmem:s12+$0x90] =	vst v5  }
0x39: {  	v3 =	vld.idx.msk [tilespmem:v4+s2+$0x0], $0xffff  }
0x3a: {  	s15 =	sadd.s32 $0x1, s13  }
0x3b: {  	v4 =	vmov s15  }
0x3c: {  	v4 =	vand.u32 $0xFFFFFFFD, v4  }
0x3d: {  	v4 =	vbroadcast v4, $0x0;
	_ =	sdelay $0x1  }
0x3e: {  	vm0 =	veq.s32 v3, v1  }
0x3f: {  	s12 =	sadd.s32 $0x200, s12;
	v5 =	vsel vm0, $0x3F800000, v0;
	vm0 =	veq.s32 v3, v2  }
0x40: {  	v3 =	vsel vm0, $0x3F800000, v0;
	[tilespmem:s12+$0xFFFFFF00] =	vst v5  }
0x41: {  	[tilespmem:s12+$0xFFFFFF10] =	vst v3  }
0x42: {  	v3 =	vld.idx.msk [tilespmem:v4+s2+$0x0], $0xffff  }
0x43: {  	s15 =	sadd.s32 $0x2, s13  }
0x44: {  	v4 =	vmov s15  }
0x45: {  	v4 =	vand.u32 $0xFFFFFFFE, v4  }
0x46: {  	v4 =	vbroadcast v4, $0x0;
	_ =	sdelay $0x1  }
0x47: {  	vm0 =	veq.s32 v3, v1  }
0x48: {  	v5 =	vsel vm0, $0x3F800000, v0;
	vm0 =	veq.s32 v3, v2  }
0x49: {  	v3 =	vsel vm0, $0x3F800000, v0;
	[tilespmem:s12+$0xFFFFFF80] =	vst v5  }
0x4a: {  	[tilespmem:s12+$0xFFFFFF90] =	vst v3  }
0x4b: {  	v3 =	vld.idx.msk [tilespmem:v4+s2+$0x0], $0xffff;
	_ =	sdelay $0x3  }
0x4c: {  	s13 =	sadd.s32 $0x3, s13  }
0x4d: {  	v4 =	vmov s13  }
0x4e: {  	vm0 =	veq.s32 v3, v1;
	vm1 =	veq.s32 v3, v2  }
0x4f: {  	v3 =	vsel vm0, $0x3F800000, v0;
	v5 =	vsel vm1, $0x3F800000, v0  }
0x50: {  	[tilespmem:s12+$0x10] =	vst v5  }
.Ltmp0:
0x51: {  	[tilespmem:s12+$0x0] =	vst v3;
	(pc) =	sbr.rel @p0 .LBB2_2-.Ltmp0, $4  }
0x52: {  	v3 =	vld.idx.msk [tilespmem:v4+s2+$0x0], $0xffff  }
0x53: {  	s13 =	sadd.s32 s14, s7  }
0x54: {  	v4 =	vmov s13  }
0x55: {  	s14 =	sadd.s32 $0x4, s14;
	v4 =	vand.u32 $0xFFFFFFFC, v4  }
0x56: {  	v4 =	vbroadcast v4, $0x0;
	_ =	sdelay $0x1  }
0x57: {  	vm0 =	veq.s32 v3, v1  }
0x58: {  	vm1 =	veq.s32 v3, v2;
	v3 =	vsel vm0, $0x3F800000, v0  }
0x59: {  	v5 =	vsel vm1, $0x3F800000, v0;
	[tilespmem:s12+$0x80] =	vst v3  }
0x5a: {  	[tilespmem:s12+$0x90] =	vst v5  }
0x5b: {  	s14 =	sadd.s32 $0x1, s13;
	v3 =	vld.idx.msk [tilespmem:v4+s2+$0x0], $0xffff  }
0x5c: {  	v58 =	vmov s14  }
0x5d: {  	v4 =	vand.u32 $0xFFFFFFFD, v58  }
0x5e: {  	v4 =	vbroadcast v4, $0x0;
	_ =	sdelay $0x1  }
0x5f: {  	vm8 =	veq.s32 v3, v1  }
0x60: {  	s29 =	sadd.s32 $0x200, s12;
	vm9 =	veq.s32 v3, v2;
	v59 =	vsel vm8, $0x3F800000, v0  }
0x61: {  	v3 =	vsel vm9, $0x3F800000, v0;
	[tilespmem:s29+$0xFFFFFF00] =	vst v59  }
0x62: {  	[tilespmem:s29+$0xFFFFFF10] =	vst v3  }
0x63: {  	s30 =	sadd.s32 $0x2, s13;
	v3 =	vld.idx.msk [tilespmem:v4+s2+$0x0], $0xffff  }
0x64: {  	v60 =	vmov s30  }
0x65: {  	v4 =	vand.u32 $0xFFFFFFFE, v60  }
0x66: {  	v4 =	vbroadcast v4, $0x0;
	_ =	sdelay $0x1  }
0x67: {  	vm10 =	veq.s32 v3, v1  }
0x68: {  	vm11 =	veq.s32 v3, v2;
	v61 =	vsel vm10, $0x3F800000, v0  }
0x69: {  	v3 =	vsel vm11, $0x3F800000, v0;
	[tilespmem:s29+$0xFFFFFF80] =	vst v61  }
0x6a: {  	[tilespmem:s29+$0xFFFFFF90] =	vst v3  }
0x6b: {  	v3 =	vld.idx.msk [tilespmem:v4+s2+$0x0], $0xffff;
	_ =	sdelay $0x2  }
0x6c: {  	s31 =	sadd.s32 $0x3, s13  }
0x6d: {  	v62 =	vmov s31  }
0x6e: {  	vm12 =	veq.s32 v3, v2  }
0x6f: {  	vm13 =	veq.s32 v3, v1;
	v3 =	vsel vm12, $0x3F800000, v0  }
0x70: {  	v63 =	vsel vm13, $0x3F800000, v0;
	[tilespmem:s29+$0x10] =	vst v3  }
0x71: {  	[tilespmem:s29+$0x0] =	vst v63  }
0x72: {  	v3 =	vld.idx.msk [tilespmem:v62+s2+$0x0], $0xffff;
	_ =	sdelay $0x4  }
0x73: {  	vm14 =	veq.s32 v3, v1  }
0x74: {  	s11 =	sadd.s32 $0x1, s11;
	vm15 =	veq.s32 v3, v2;
	v1 =	vsel vm14, $0x3F800000, v0  }
0x75: {  	p0 =	sne.s32 s11, s6;
	v2 =	vsel vm15, $0x3F800000, v0;
	[tilespmem:s29+$0x80] =	vst v1  }
.Ltmp1:
0x76: {  	[tilespmem:s29+$0x90] =	vst v2;
	(pc) =	sbr.rel @p0 .LBB2_1-.Ltmp1, $4  }
0x77: {  	[hbm4b:s5+s2] =	stream.linear.scatter [tilespmem:s10], [sflag:$0x1], $0x8000, $0x38;
	[tilespmem:$0x8480] =	vst v63  }
0x78: {  	_ =	swait.ge [sflag:s8], $0x8000  }
0x79: {  	[sflag:s8] =	ssyncset.done $0x0  }
0x7a: {  	[sflag:s8] =	ssyncadd.s32 $0xFFFF8000  }
0x7b: {  	_ =	sfence.sel $0x180000  }
0x7c: {  	[bflag:$0x0] =	sbarrier.arrive $0xFFFF  }
0x7d: {  	p0 =	sne.s32 s1, $0x0;
	_ =	strace $0x90000047  }
0x7e: {  	s0 =	sadd.s32 @!p0 $0x100000, s0;
	[bflag:$0x2] =	sbarrier.arrive $0xFFFF  }
0x7f: {  	[sflag:s0] =	ssyncadd.tile.s32 @!p0 $0x1;
	_ =	shalt  }
.Lfunc_end2:
_tile_overlayer_lowered:
.L_overlay_start_2:
0x80: {  	(tag) =	ssettag $0x2  }
0x81: {  	s0 =	rddreg [dreg:$0x0];
	s2 =	stileid.u32  }
0x82: {  	s1 =	rddreg [dreg:$0x1];
	p0 =	sne.s32 s2, $0x0  }
0x83: {  	s3 =	rddreg [dreg:$0x2];
	[bflag:$0x3] =	sbarrier.arrive $0xFFFF;
	s2 =	simm.s32 @!p0 $0x1C01  }
0x84: {  	[timem:s3], [sflag:s2] =	dma.local @!p0 [hbm:s0], s1  }
0x85: {  	s0 =	simm.s32 @!p0 $0x1  }
0x86: {  	_ =	swait.ge @!p0 [sflag:s0], s1  }
0x87: {  	s1 =	ssub.s32 @!p0 $0x0, s1;
	[sflag:s0] =	ssyncset.done @!p0 $0x0  }
0x88: {  	[sflag:s0] =	ssyncadd.s32 @!p0 s1  }
0x89: {  	[bflag:$0x3] =	sbarrier.arrive $0xFFFF  }
0x8a: {  	_ =	shalt  }

</sc_bundles>
